<compile_context>
chip_gen: v7x
topology: tpu7x:2x2x1
jax: 0.10.2.dev20260603
libtpu: 0.0.44.dev20260713+nightly
codegen_flags: <defaults>
</compile_context>

<pallas_src>
import functools

import jax
import jax.numpy as jnp
from jax import lax
from jax.experimental import pallas as pl
from jax.experimental.pallas import tpu as pltpu
from jax.experimental.pallas import tpu_sc as plsc

I_, K_, B_, D_ = 8, 4096, 1024, 128
_PREC = lax.Precision.DEFAULT
CH = 4096
NCH = K_ // CH


def _argmin_body(x_ref, F_ref, out_ref):
    i = pl.program_id(0)
    x = x_ref[...]
    xs = x * -2.0
    x2 = jnp.sum(x * x, axis=1, keepdims=True)

    chunks = []
    for c in range(NCH):
        Fc = F_ref[c * CH:(c + 1) * CH, :]
        f2c = jnp.sum(Fc * Fc, axis=1)[None, :]
        xfc = lax.dot_general(xs, Fc, (((1,), (1,)), ((), ())),
                              precision=_PREC,
                              preferred_element_type=jnp.float32)
        chunks.append((f2c, xfc))

    acc_v, acc_i = None, None
    for c, (f2c, xfc) in enumerate(chunks):
        ds = [(x2 + f2c[:, s * 128:(s + 1) * 128]) + xfc[:, s * 128:(s + 1) * 128]
              for s in range(CH // 128)]
        s0 = c * (CH // 128)
        vs = [(d, jnp.float32(s0 + s)) for s, d in enumerate(ds)]
        while len(vs) > 1:
            nxt = []
            for (v0, i0), (v1, i1) in zip(vs[0::2], vs[1::2]):
                m = v1 < v0
                nxt.append((jnp.minimum(v0, v1), jnp.where(m, i1, i0)))
            vs = nxt
        vq, iq = vs[0]
        if acc_v is None:
            acc_v, acc_i = vq, iq
        else:
            ma = vq < acc_v
            acc_v = jnp.minimum(acc_v, vq)
            acc_i = jnp.where(ma, iq, acc_i)

    big = jnp.float32(2.0 ** 30)
    iotaf = lax.broadcasted_iota(jnp.int32, (B_, 128), 1).astype(jnp.float32)
    gmin = jnp.min(acc_v, axis=1, keepdims=True)
    cand = jnp.where(acc_v == gmin, acc_i * 128.0 + iotaf, big)
    midx = jnp.min(cand, axis=1, keepdims=True).astype(jnp.int32)
    out_ref[...] = midx[:, 0] + i * K_


_argmin_call = pl.pallas_call(
    _argmin_body,
    grid=(I_,),
    in_specs=[
        pl.BlockSpec((None, B_, D_), lambda i: (i, 0, 0)),
        pl.BlockSpec((None, K_, D_), lambda i: (i, 0, 0)),
    ],
    out_specs=pl.BlockSpec((B_,), lambda i: (i,)),
    out_shape=jax.ShapeDtypeStruct((I_ * B_,), jnp.int32),
)

_NC, _NS = 2, 16
_NW = _NC * _NS
_BT = I_ * B_
_BPW = _BT // _NW


@functools.cache
def _sc_gather_fn():
    mesh = plsc.VectorSubcoreMesh(core_axis_name="c", subcore_axis_name="s")

    @functools.partial(
        pl.kernel,
        mesh=mesh,
        out_type=jax.ShapeDtypeStruct((_BT, D_), jnp.float32),
        scratch_types=[
            pltpu.VMEM((_BPW,), jnp.int32),
            pltpu.VMEM((_BPW, D_), jnp.float32),
            pltpu.SemaphoreType.DMA,
        ],
    )
    def _sc_gather(table_hbm, idx_hbm, out_hbm, idx_v, rows_v, sem):
        wid = lax.axis_index("s") * _NC + lax.axis_index("c")
        base = wid * _BPW
        pltpu.sync_copy(idx_hbm.at[pl.ds(base, _BPW)], idx_v)
        pltpu.async_copy(table_hbm.at[idx_v], rows_v, sem).wait()
        pltpu.sync_copy(rows_v, out_hbm.at[pl.ds(base, _BPW)])

    return _sc_gather


def kernel(F, x):
    idxf = _argmin_call(x, F)
    out = _sc_gather_fn()(F.reshape(I_ * K_, D_), idxf)
    return out.reshape(I_, B_, D_)

# --- scband reference (transcript-rebuilt; emitter-appended) ---
"""Pipeline reference for scband-voronoi-projection-50225347559700 (READ-ONLY COPY).

The authoritative reference and input builder live on the scoring server;
editing this copy changes nothing except your own understanding.
"""

import jax, jax.numpy as jnp
import numpy as np

I, K, B, D = 8, 4096, 1024, 128

def setup_inputs(seed: int = 0):
    key = jax.random.key(seed)
    k1, k2 = jax.random.split(key)
    F = jax.random.normal(k1, (I, K, D), dtype=jnp.float32)
    x = jax.random.normal(k2, (I, B, D), dtype=jnp.float32)
    return {"F": F, "x": x}

def _pairwise_sqdist(x, F):
    # x: IxBxD, F: IxKxD -> dist: IxBxK (squared euclidean, share_dim=False)
    x2 = jnp.sum(x * x, axis=-1, keepdims=True)            # IxBx1
    f2 = jnp.sum(F * F, axis=-1)[:, None, :]               # Ix1xK
    xf = jnp.einsum('ibd,ikd->ibk', x, F)                  # IxBxK
    return x2 + f2 - 2.0 * xf

def reference(F, x):
    dist = _pairwise_sqdist(x, F)                          # IxBxK
    closest_idx = jnp.argmin(dist, axis=-1)                # IxB
    idx = jnp.broadcast_to(closest_idx[..., None], (F.shape[0], x.shape[1], F.shape[2]))  # IxBxD
    # torch.gather(F, 1, idx) equivalent
    proj_x = jnp.take_along_axis(F, idx, axis=1)           # IxBxD
    return proj_x

if __name__ == "__main__":
    import jax
    _d = setup_inputs()
    print(jax.jit(kernel)(*tuple(_d.values())))

</pallas_src>

<mosaic_0001>
#map = affine_map<(d0, d1) -> (0, 0)>
#map1 = affine_map<(d0, d1) -> (0)>
module attributes {stable_mosaic.version = 14 : i64} {
  func.func @_sc_gather(%arg0: i32, %arg1: i32, %arg2: memref<32768x128xf32, #tpu.memory_space<hbm>>, %arg3: memref<8192xi32, #tpu.memory_space<hbm>>, %arg4: memref<8192x128xf32, #tpu.memory_space<hbm>>, %arg5: memref<256xi32, #tpu.memory_space<vmem>>, %arg6: memref<256x128xf32, #tpu.memory_space<vmem>>, %arg7: memref<!tpu.dma_semaphore, #tpu.memory_space<semaphore_mem>>) attributes {dimension_semantics = [#tpu.dimension_semantics<core_parallel>, #tpu.dimension_semantics<subcore_parallel>], iteration_bounds = array<i64: 2, 16>, scalar_prefetch = 0 : i64, scratch_operands = 3 : i64, tpu.core_type = #tpu.core_type<sc_vector_subcore>, window_params = [{transform_indices = #map}, {transform_indices = #map1}, {transform_indices = #map}]} {
    %mul3A = arith.constant 2 : i32
    %mul3A_0 = arith.muli %arg1, %mul3A : i32
    %add3A = arith.addi %mul3A_0, %arg0 : i32
    %mul3A_1 = arith.constant 256 : i32
    %mul3A_2 = arith.muli %add3A, %mul3A_1 : i32
    "tpu.region"() ({
      %run_scoped3A = tpu.sem_alloc : memref<!tpu.dma_semaphore, #tpu.memory_space<semaphore_mem>>
      %dma_start3A_7 = tpu.memref_slice %arg3[%mul3A_2] : memref<8192xi32, #tpu.memory_space<hbm>> -> memref<256xi32, #tpu.memory_space<hbm>>
      %dma_start3A_8 = tpu.memref_slice %arg3[%mul3A_2] : memref<8192xi32, #tpu.memory_space<hbm>> -> memref<256xi32, #tpu.memory_space<hbm>>
      tpu.enqueue_dma source(%dma_start3A_8 : memref<256xi32, #tpu.memory_space<hbm>>) target(%arg5 : memref<256xi32, #tpu.memory_space<vmem>>) target_semaphore(%run_scoped3A : memref<!tpu.dma_semaphore, #tpu.memory_space<semaphore_mem>>)
      %dma_wait3A_9 = tpu.memref_slice %arg3[%mul3A_2] : memref<8192xi32, #tpu.memory_space<hbm>> -> memref<256xi32, #tpu.memory_space<hbm>>
      %dma_wait3A_10 = tpu.memref_slice %arg3[%mul3A_2] : memref<8192xi32, #tpu.memory_space<hbm>> -> memref<256xi32, #tpu.memory_space<hbm>>
      tpu.wait_dma2 semaphore(%run_scoped3A : memref<!tpu.dma_semaphore, #tpu.memory_space<semaphore_mem>>) src(%dma_wait3A_10 : memref<256xi32, #tpu.memory_space<hbm>>) dst(%arg5 : memref<256xi32, #tpu.memory_space<vmem>>)
      tpu.yield
    }) : () -> ()
    %dma_start3A = arith.constant 0 : i32
    %dma_start3A_3 = arith.constant 0 : i32
    %dma_start3A_4 = tpu.memref_slice %arg2[%dma_start3A, %dma_start3A_3] : memref<32768x128xf32, #tpu.memory_space<hbm>> -> memref<32768x128xf32, #tpu.memory_space<hbm>>
    tpu.enqueue_indirect_dma source(%dma_start3A_4 : memref<32768x128xf32, #tpu.memory_space<hbm>>) target(%arg6 : memref<256x128xf32, #tpu.memory_space<vmem>>) offsets(%arg5 : memref<256xi32, #tpu.memory_space<vmem>>) semaphore(%arg7 : memref<!tpu.dma_semaphore, #tpu.memory_space<semaphore_mem>>)
    %dma_wait3A = arith.constant 0 : i32
    %dma_wait3A_5 = arith.constant 0 : i32
    %dma_wait3A_6 = tpu.memref_slice %arg2[%dma_wait3A, %dma_wait3A_5] : memref<32768x128xf32, #tpu.memory_space<hbm>> -> memref<32768x128xf32, #tpu.memory_space<hbm>>
    tpu.wait_indirect_dma semaphore(%arg7 : memref<!tpu.dma_semaphore, #tpu.memory_space<semaphore_mem>>) src(%dma_wait3A_6 : memref<32768x128xf32, #tpu.memory_space<hbm>>) dst(%arg6 : memref<256x128xf32, #tpu.memory_space<vmem>>)
    "tpu.region"() ({
      %run_scoped3A = tpu.sem_alloc : memref<!tpu.dma_semaphore, #tpu.memory_space<semaphore_mem>>
      %dma_start3A_7 = arith.constant 0 : i32
      %dma_start3A_8 = tpu.memref_slice %arg4[%mul3A_2, %dma_start3A_7] : memref<8192x128xf32, #tpu.memory_space<hbm>> -> memref<256x128xf32, #tpu.memory_space<hbm>>
      %dma_start3A_9 = arith.constant 0 : i32
      %dma_start3A_10 = tpu.memref_slice %arg4[%mul3A_2, %dma_start3A_9] : memref<8192x128xf32, #tpu.memory_space<hbm>> -> memref<256x128xf32, #tpu.memory_space<hbm>>
      tpu.enqueue_dma source(%arg6 : memref<256x128xf32, #tpu.memory_space<vmem>>) target(%dma_start3A_10 : memref<256x128xf32, #tpu.memory_space<hbm>>) target_semaphore(%run_scoped3A : memref<!tpu.dma_semaphore, #tpu.memory_space<semaphore_mem>>)
      %dma_wait3A_11 = arith.constant 0 : i32
      %dma_wait3A_12 = tpu.memref_slice %arg4[%mul3A_2, %dma_wait3A_11] : memref<8192x128xf32, #tpu.memory_space<hbm>> -> memref<256x128xf32, #tpu.memory_space<hbm>>
      %dma_wait3A_13 = arith.constant 0 : i32
      %dma_wait3A_14 = tpu.memref_slice %arg4[%mul3A_2, %dma_wait3A_13] : memref<8192x128xf32, #tpu.memory_space<hbm>> -> memref<256x128xf32, #tpu.memory_space<hbm>>
      tpu.wait_dma2 semaphore(%run_scoped3A : memref<!tpu.dma_semaphore, #tpu.memory_space<semaphore_mem>>) src(%arg6 : memref<256x128xf32, #tpu.memory_space<vmem>>) dst(%dma_wait3A_14 : memref<256x128xf32, #tpu.memory_space<hbm>>)
      tpu.yield
    }) : () -> ()
    return
  }
}

module attributes {stable_mosaic.version = 14 : i64} {
  func.func @_argmin_body(%arg0: i32, %arg1: memref<1x1024x128xf32, #tpu.memory_space<vmem>>, %arg2: memref<1x4096x128xf32, #tpu.memory_space<vmem>>, %arg3: memref<1024xi32, #tpu.memory_space<vmem>>) attributes {dimension_semantics = [#tpu.dimension_semantics<arbitrary>], iteration_bounds = array<i64: 8>, scalar_prefetch = 0 : i64, scratch_operands = 0 : i64, tpu.core_type = #tpu.core_type<tc>, window_params = [{transform_indices = @transform_0, window_bounds = array<i64: 1, 1024, 128>}, {transform_indices = @transform_1, window_bounds = array<i64: 1, 4096, 128>}, {transform_indices = @transform_2, window_bounds = array<i64: 1024>}]} {
    %get3A = arith.constant 0 : index
    %get3A_0 = arith.constant 0 : index
    %get3A_1 = arith.constant 0 : index
    %get3A_2 = vector.load %arg1[%get3A, %get3A_0, %get3A_1] : memref<1x1024x128xf32, #tpu.memory_space<vmem>>, vector<1x1024x128xf32>
    %get3A_3 = vector.shape_cast %get3A_2 : vector<1x1024x128xf32> to vector<1024x128xf32>
    %mul3A = arith.constant -2.000000e+00 : f32
    %mul3A_4 = vector.broadcast %mul3A : f32 to vector<1024x128xf32>
    %mul3A_5 = arith.mulf %get3A_3, %mul3A_4 : vector<1024x128xf32>
    %mul3A_6 = arith.mulf %get3A_3, %get3A_3 : vector<1024x128xf32>
    %reduce_sum3A = arith.constant dense<0.000000e+00> : vector<1024xf32>
    %reduce_sum3A_7 = vector.multi_reduction <add>, %mul3A_6, %reduce_sum3A [1] : vector<1024x128xf32> to vector<1024xf32>
    %broadcast_in_dim3A = vector.shape_cast %reduce_sum3A_7 : vector<1024xf32> to vector<1024x1xf32>
    %get3A_8 = arith.constant 0 : index
    %get3A_9 = arith.constant 0 : index
    %get3A_10 = arith.constant 0 : index
    %get3A_11 = vector.load %arg2[%get3A_8, %get3A_9, %get3A_10] : memref<1x4096x128xf32, #tpu.memory_space<vmem>>, vector<1x4096x128xf32>
    %get3A_12 = vector.shape_cast %get3A_11 : vector<1x4096x128xf32> to vector<4096x128xf32>
    %mul3A_13 = arith.mulf %get3A_12, %get3A_12 : vector<4096x128xf32>
    %reduce_sum3A_14 = arith.constant dense<0.000000e+00> : vector<4096xf32>
    %reduce_sum3A_15 = vector.multi_reduction <add>, %mul3A_13, %reduce_sum3A_14 [1] : vector<4096x128xf32> to vector<4096xf32>
    %broadcast_in_dim3A_16 = vector.shape_cast %reduce_sum3A_15 : vector<4096xf32> to vector<1x4096xf32>
    %dot_general3A = arith.constant dense<0.000000e+00> : vector<1024x4096xf32>
    %dot_general3A_17 = tpu.matmul %mul3A_5, %get3A_12, %dot_general3A {dimension_numbers = #tpu.dot_dimension_numbers<[1], [1], [0], [0], [0, 0, 1, 0], [], []>, transpose_lhs_hint = false} : vector<1024x128xf32>, vector<4096x128xf32>, vector<1024x4096xf32> -> vector<1024x4096xf32>
    %slice3A = vector.extract_strided_slice %broadcast_in_dim3A_16 {offsets = [0, 0], sizes = [1, 128], strides = [1, 1]} : vector<1x4096xf32> to vector<1x128xf32>
    %add3A = vector.broadcast %broadcast_in_dim3A : vector<1024x1xf32> to vector<1024x128xf32>
    %add3A_18 = vector.broadcast %slice3A : vector<1x128xf32> to vector<1024x128xf32>
    %add3A_19 = arith.addf %add3A, %add3A_18 : vector<1024x128xf32>
    %slice3A_20 = vector.extract_strided_slice %dot_general3A_17 {offsets = [0, 0], sizes = [1024, 128], strides = [1, 1]} : vector<1024x4096xf32> to vector<1024x128xf32>
    %add3A_21 = arith.addf %add3A_19, %slice3A_20 : vector<1024x128xf32>
    %slice3A_22 = vector.extract_strided_slice %broadcast_in_dim3A_16 {offsets = [0, 128], sizes = [1, 128], strides = [1, 1]} : vector<1x4096xf32> to vector<1x128xf32>
    %add3A_23 = vector.broadcast %broadcast_in_dim3A : vector<1024x1xf32> to vector<1024x128xf32>
    %add3A_24 = vector.broadcast %slice3A_22 : vector<1x128xf32> to vector<1024x128xf32>
    %add3A_25 = arith.addf %add3A_23, %add3A_24 : vector<1024x128xf32>
    %slice3A_26 = vector.extract_strided_slice %dot_general3A_17 {offsets = [0, 128], sizes = [1024, 128], strides = [1, 1]} : vector<1024x4096xf32> to vector<1024x128xf32>
    %add3A_27 = arith.addf %add3A_25, %slice3A_26 : vector<1024x128xf32>
    %slice3A_28 = vector.extract_strided_slice %broadcast_in_dim3A_16 {offsets = [0, 256], sizes = [1, 128], strides = [1, 1]} : vector<1x4096xf32> to vector<1x128xf32>
    %add3A_29 = vector.broadcast %broadcast_in_dim3A : vector<1024x1xf32> to vector<1024x128xf32>
    %add3A_30 = vector.broadcast %slice3A_28 : vector<1x128xf32> to vector<1024x128xf32>
    %add3A_31 = arith.addf %add3A_29, %add3A_30 : vector<1024x128xf32>
    %slice3A_32 = vector.extract_strided_slice %dot_general3A_17 {offsets = [0, 256], sizes = [1024, 128], strides = [1, 1]} : vector<1024x4096xf32> to vector<1024x128xf32>
    %add3A_33 = arith.addf %add3A_31, %slice3A_32 : vector<1024x128xf32>
    %slice3A_34 = vector.extract_strided_slice %broadcast_in_dim3A_16 {offsets = [0, 384], sizes = [1, 128], strides = [1, 1]} : vector<1x4096xf32> to vector<1x128xf32>
    %add3A_35 = vector.broadcast %broadcast_in_dim3A : vector<1024x1xf32> to vector<1024x128xf32>
    %add3A_36 = vector.broadcast %slice3A_34 : vector<1x128xf32> to vector<1024x128xf32>
    %add3A_37 = arith.addf %add3A_35, %add3A_36 : vector<1024x128xf32>
    %slice3A_38 = vector.extract_strided_slice %dot_general3A_17 {offsets = [0, 384], sizes = [1024, 128], strides = [1, 1]} : vector<1024x4096xf32> to vector<1024x128xf32>
    %add3A_39 = arith.addf %add3A_37, %slice3A_38 : vector<1024x128xf32>
    %slice3A_40 = vector.extract_strided_slice %broadcast_in_dim3A_16 {offsets = [0, 512], sizes = [1, 128], strides = [1, 1]} : vector<1x4096xf32> to vector<1x128xf32>
    %add3A_41 = vector.broadcast %broadcast_in_dim3A : vector<1024x1xf32> to vector<1024x128xf32>
    %add3A_42 = vector.broadcast %slice3A_40 : vector<1x128xf32> to vector<1024x128xf32>
    %add3A_43 = arith.addf %add3A_41, %add3A_42 : vector<1024x128xf32>
    %slice3A_44 = vector.extract_strided_slice %dot_general3A_17 {offsets = [0, 512], sizes = [1024, 128], strides = [1, 1]} : vector<1024x4096xf32> to vector<1024x128xf32>
    %add3A_45 = arith.addf %add3A_43, %slice3A_44 : vector<1024x128xf32>
    %slice3A_46 = vector.extract_strided_slice %broadcast_in_dim3A_16 {offsets = [0, 640], sizes = [1, 128], strides = [1, 1]} : vector<1x4096xf32> to vector<1x128xf32>
    %add3A_47 = vector.broadcast %broadcast_in_dim3A : vector<1024x1xf32> to vector<1024x128xf32>
    %add3A_48 = vector.broadcast %slice3A_46 : vector<1x128xf32> to vector<1024x128xf32>
    %add3A_49 = arith.addf %add3A_47, %add3A_48 : vector<1024x128xf32>
    %slice3A_50 = vector.extract_strided_slice %dot_general3A_17 {offsets = [0, 640], sizes = [1024, 128], strides = [1, 1]} : vector<1024x4096xf32> to vector<1024x128xf32>
    %add3A_51 = arith.addf %add3A_49, %slice3A_50 : vector<1024x128xf32>
    %slice3A_52 = vector.extract_strided_slice %broadcast_in_dim3A_16 {offsets = [0, 768], sizes = [1, 128], strides = [1, 1]} : vector<1x4096xf32> to vector<1x128xf32>
    %add3A_53 = vector.broadcast %broadcast_in_dim3A : vector<1024x1xf32> to vector<1024x128xf32>
    %add3A_54 = vector.broadcast %slice3A_52 : vector<1x128xf32> to vector<1024x128xf32>
    %add3A_55 = arith.addf %add3A_53, %add3A_54 : vector<1024x128xf32>
    %slice3A_56 = vector.extract_strided_slice %dot_general3A_17 {offsets = [0, 768], sizes = [1024, 128], strides = [1, 1]} : vector<1024x4096xf32> to vector<1024x128xf32>
    %add3A_57 = arith.addf %add3A_55, %slice3A_56 : vector<1024x128xf32>
    %slice3A_58 = vector.extract_strided_slice %broadcast_in_dim3A_16 {offsets = [0, 896], sizes = [1, 128], strides = [1, 1]} : vector<1x4096xf32> to vector<1x128xf32>
    %add3A_59 = vector.broadcast %broadcast_in_dim3A : vector<1024x1xf32> to vector<1024x128xf32>
    %add3A_60 = vector.broadcast %slice3A_58 : vector<1x128xf32> to vector<1024x128xf32>
    %add3A_61 = arith.addf %add3A_59, %add3A_60 : vector<1024x128xf32>
    %slice3A_62 = vector.extract_strided_slice %dot_general3A_17 {offsets = [0, 896], sizes = [1024, 128], strides = [1, 1]} : vector<1024x4096xf32> to vector<1024x128xf32>
    %add3A_63 = arith.addf %add3A_61, %slice3A_62 : vector<1024x128xf32>
    %slice3A_64 = vector.extract_strided_slice %broadcast_in_dim3A_16 {offsets = [0, 1024], sizes = [1, 128], strides = [1, 1]} : vector<1x4096xf32> to vector<1x128xf32>
    %add3A_65 = vector.broadcast %broadcast_in_dim3A : vector<1024x1xf32> to vector<1024x128xf32>
    %add3A_66 = vector.broadcast %slice3A_64 : vector<1x128xf32> to vector<1024x128xf32>
    %add3A_67 = arith.addf %add3A_65, %add3A_66 : vector<1024x128xf32>
    %slice3A_68 = vector.extract_strided_slice %dot_general3A_17 {offsets = [0, 1024], sizes = [1024, 128], strides = [1, 1]} : vector<1024x4096xf32> to vector<1024x128xf32>
    %add3A_69 = arith.addf %add3A_67, %slice3A_68 : vector<1024x128xf32>
    %slice3A_70 = vector.extract_strided_slice %broadcast_in_dim3A_16 {offsets = [0, 1152], sizes = [1, 128], strides = [1, 1]} : vector<1x4096xf32> to vector<1x128xf32>
    %add3A_71 = vector.broadcast %broadcast_in_dim3A : vector<1024x1xf32> to vector<1024x128xf32>
    %add3A_72 = vector.broadcast %slice3A_70 : vector<1x128xf32> to vector<1024x128xf32>
    %add3A_73 = arith.addf %add3A_71, %add3A_72 : vector<1024x128xf32>
    %slice3A_74 = vector.extract_strided_slice %dot_general3A_17 {offsets = [0, 1152], sizes = [1024, 128], strides = [1, 1]} : vector<1024x4096xf32> to vector<1024x128xf32>
    %add3A_75 = arith.addf %add3A_73, %slice3A_74 : vector<1024x128xf32>
    %slice3A_76 = vector.extract_strided_slice %broadcast_in_dim3A_16 {offsets = [0, 1280], sizes = [1, 128], strides = [1, 1]} : vector<1x4096xf32> to vector<1x128xf32>
    %add3A_77 = vector.broadcast %broadcast_in_dim3A : vector<1024x1xf32> to vector<1024x128xf32>
    %add3A_78 = vector.broadcast %slice3A_76 : vector<1x128xf32> to vector<1024x128xf32>
    %add3A_79 = arith.addf %add3A_77, %add3A_78 : vector<1024x128xf32>
    %slice3A_80 = vector.extract_strided_slice %dot_general3A_17 {offsets = [0, 1280], sizes = [1024, 128], strides = [1, 1]} : vector<1024x4096xf32> to vector<1024x128xf32>
    %add3A_81 = arith.addf %add3A_79, %slice3A_80 : vector<1024x128xf32>
    %slice3A_82 = vector.extract_strided_slice %broadcast_in_dim3A_16 {offsets = [0, 1408], sizes = [1, 128], strides = [1, 1]} : vector<1x4096xf32> to vector<1x128xf32>
    %add3A_83 = vector.broadcast %broadcast_in_dim3A : vector<1024x1xf32> to vector<1024x128xf32>
    %add3A_84 = vector.broadcast %slice3A_82 : vector<1x128xf32> to vector<1024x128xf32>
    %add3A_85 = arith.addf %add3A_83, %add3A_84 : vector<1024x128xf32>
    %slice3A_86 = vector.extract_strided_slice %dot_general3A_17 {offsets = [0, 1408], sizes = [1024, 128], strides = [1, 1]} : vector<1024x4096xf32> to vector<1024x128xf32>
    %add3A_87 = arith.addf %add3A_85, %slice3A_86 : vector<1024x128xf32>
    %slice3A_88 = vector.extract_strided_slice %broadcast_in_dim3A_16 {offsets = [0, 1536], sizes = [1, 128], strides = [1, 1]} : vector<1x4096xf32> to vector<1x128xf32>
    %add3A_89 = vector.broadcast %broadcast_in_dim3A : vector<1024x1xf32> to vector<1024x128xf32>
    %add3A_90 = vector.broadcast %slice3A_88 : vector<1x128xf32> to vector<1024x128xf32>
    %add3A_91 = arith.addf %add3A_89, %add3A_90 : vector<1024x128xf32>
    %slice3A_92 = vector.extract_strided_slice %dot_general3A_17 {offsets = [0, 1536], sizes = [1024, 128], strides = [1, 1]} : vector<1024x4096xf32> to vector<1024x128xf32>
    %add3A_93 = arith.addf %add3A_91, %slice3A_92 : vector<1024x128xf32>
    %slice3A_94 = vector.extract_strided_slice %broadcast_in_dim3A_16 {offsets = [0, 1664], sizes = [1, 128], strides = [1, 1]} : vector<1x4096xf32> to vector<1x128xf32>
    %add3A_95 = vector.broadcast %broadcast_in_dim3A : vector<1024x1xf32> to vector<1024x128xf32>
    %add3A_96 = vector.broadcast %slice3A_94 : vector<1x128xf32> to vector<1024x128xf32>
    %add3A_97 = arith.addf %add3A_95, %add3A_96 : vector<1024x128xf32>
    %slice3A_98 = vector.extract_strided_slice %dot_general3A_17 {offsets = [0, 1664], sizes = [1024, 128], strides = [1, 1]} : vector<1024x4096xf32> to vector<1024x128xf32>
    %add3A_99 = arith.addf %add3A_97, %slice3A_98 : vector<1024x128xf32>
    %slice3A_100 = vector.extract_strided_slice %broadcast_in_dim3A_16 {offsets = [0, 1792], sizes = [1, 128], strides = [1, 1]} : vector<1x4096xf32> to vector<1x128xf32>
    %add3A_101 = vector.broadcast %broadcast_in_dim3A : vector<1024x1xf32> to vector<1024x128xf32>
    %add3A_102 = vector.broadcast %slice3A_100 : vector<1x128xf32> to vector<1024x128xf32>
    %add3A_103 = arith.addf %add3A_101, %add3A_102 : vector<1024x128xf32>
    %slice3A_104 = vector.extract_strided_slice %dot_general3A_17 {offsets = [0, 1792], sizes = [1024, 128], strides = [1, 1]} : vector<1024x4096xf32> to vector<1024x128xf32>
    %add3A_105 = arith.addf %add3A_103, %slice3A_104 : vector<1024x128xf32>
    %slice3A_106 = vector.extract_strided_slice %broadcast_in_dim3A_16 {offsets = [0, 1920], sizes = [1, 128], strides = [1, 1]} : vector<1x4096xf32> to vector<1x128xf32>
    %add3A_107 = vector.broadcast %broadcast_in_dim3A : vector<1024x1xf32> to vector<1024x128xf32>
    %add3A_108 = vector.broadcast %slice3A_106 : vector<1x128xf32> to vector<1024x128xf32>
    %add3A_109 = arith.addf %add3A_107, %add3A_108 : vector<1024x128xf32>
    %slice3A_110 = vector.extract_strided_slice %dot_general3A_17 {offsets = [0, 1920], sizes = [1024, 128], strides = [1, 1]} : vector<1024x4096xf32> to vector<1024x128xf32>
    %add3A_111 = arith.addf %add3A_109, %slice3A_110 : vector<1024x128xf32>
    %slice3A_112 = vector.extract_strided_slice %broadcast_in_dim3A_16 {offsets = [0, 2048], sizes = [1, 128], strides = [1, 1]} : vector<1x4096xf32> to vector<1x128xf32>
    %add3A_113 = vector.broadcast %broadcast_in_dim3A : vector<1024x1xf32> to vector<1024x128xf32>
    %add3A_114 = vector.broadcast %slice3A_112 : vector<1x128xf32> to vector<1024x128xf32>
    %add3A_115 = arith.addf %add3A_113, %add3A_114 : vector<1024x128xf32>
    %slice3A_116 = vector.extract_strided_slice %dot_general3A_17 {offsets = [0, 2048], sizes = [1024, 128], strides = [1, 1]} : vector<1024x4096xf32> to vector<1024x128xf32>
    %add3A_117 = arith.addf %add3A_115, %slice3A_116 : vector<1024x128xf32>
    %slice3A_118 = vector.extract_strided_slice %broadcast_in_dim3A_16 {offsets = [0, 2176], sizes = [1, 128], strides = [1, 1]} : vector<1x4096xf32> to vector<1x128xf32>
    %add3A_119 = vector.broadcast %broadcast_in_dim3A : vector<1024x1xf32> to vector<1024x128xf32>
    %add3A_120 = vector.broadcast %slice3A_118 : vector<1x128xf32> to vector<1024x128xf32>
    %add3A_121 = arith.addf %add3A_119, %add3A_120 : vector<1024x128xf32>
    %slice3A_122 = vector.extract_strided_slice %dot_general3A_17 {offsets = [0, 2176], sizes = [1024, 128], strides = [1, 1]} : vector<1024x4096xf32> to vector<1024x128xf32>
    %add3A_123 = arith.addf %add3A_121, %slice3A_122 : vector<1024x128xf32>
    %slice3A_124 = vector.extract_strided_slice %broadcast_in_dim3A_16 {offsets = [0, 2304], sizes = [1, 128], strides = [1, 1]} : vector<1x4096xf32> to vector<1x128xf32>
    %add3A_125 = vector.broadcast %broadcast_in_dim3A : vector<1024x1xf32> to vector<1024x128xf32>
    %add3A_126 = vector.broadcast %slice3A_124 : vector<1x128xf32> to vector<1024x128xf32>
    %add3A_127 = arith.addf %add3A_125, %add3A_126 : vector<1024x128xf32>
    %slice3A_128 = vector.extract_strided_slice %dot_general3A_17 {offsets = [0, 2304], sizes = [1024, 128], strides = [1, 1]} : vector<1024x4096xf32> to vector<1024x128xf32>
    %add3A_129 = arith.addf %add3A_127, %slice3A_128 : vector<1024x128xf32>
    %slice3A_130 = vector.extract_strided_slice %broadcast_in_dim3A_16 {offsets = [0, 2432], sizes = [1, 128], strides = [1, 1]} : vector<1x4096xf32> to vector<1x128xf32>
    %add3A_131 = vector.broadcast %broadcast_in_dim3A : vector<1024x1xf32> to vector<1024x128xf32>
    %add3A_132 = vector.broadcast %slice3A_130 : vector<1x128xf32> to vector<1024x128xf32>
    %add3A_133 = arith.addf %add3A_131, %add3A_132 : vector<1024x128xf32>
    %slice3A_134 = vector.extract_strided_slice %dot_general3A_17 {offsets = [0, 2432], sizes = [1024, 128], strides = [1, 1]} : vector<1024x4096xf32> to vector<1024x128xf32>
    %add3A_135 = arith.addf %add3A_133, %slice3A_134 : vector<1024x128xf32>
    %slice3A_136 = vector.extract_strided_slice %broadcast_in_dim3A_16 {offsets = [0, 2560], sizes = [1, 128], strides = [1, 1]} : vector<1x4096xf32> to vector<1x128xf32>
    %add3A_137 = vector.broadcast %broadcast_in_dim3A : vector<1024x1xf32> to vector<1024x128xf32>
    %add3A_138 = vector.broadcast %slice3A_136 : vector<1x128xf32> to vector<1024x128xf32>
    %add3A_139 = arith.addf %add3A_137, %add3A_138 : vector<1024x128xf32>
    %slice3A_140 = vector.extract_strided_slice %dot_general3A_17 {offsets = [0, 2560], sizes = [1024, 128], strides = [1, 1]} : vector<1024x4096xf32> to vector<1024x128xf32>
    %add3A_141 = arith.addf %add3A_139, %slice3A_140 : vector<1024x128xf32>
    %slice3A_142 = vector.extract_strided_slice %broadcast_in_dim3A_16 {offsets = [0, 2688], sizes = [1, 128], strides = [1, 1]} : vector<1x4096xf32> to vector<1x128xf32>
    %add3A_143 = vector.broadcast %broadcast_in_dim3A : vector<1024x1xf32> to vector<1024x128xf32>
    %add3A_144 = vector.broadcast %slice3A_142 : vector<1x128xf32> to vector<1024x128xf32>
    %add3A_145 = arith.addf %add3A_143, %add3A_144 : vector<1024x128xf32>
    %slice3A_146 = vector.extract_strided_slice %dot_general3A_17 {offsets = [0, 2688], sizes = [1024, 128], strides = [1, 1]} : vector<1024x4096xf32> to vector<1024x128xf32>
    %add3A_147 = arith.addf %add3A_145, %slice3A_146 : vector<1024x128xf32>
    %slice3A_148 = vector.extract_strided_slice %broadcast_in_dim3A_16 {offsets = [0, 2816], sizes = [1, 128], strides = [1, 1]} : vector<1x4096xf32> to vector<1x128xf32>
    %add3A_149 = vector.broadcast %broadcast_in_dim3A : vector<1024x1xf32> to vector<1024x128xf32>
    %add3A_150 = vector.broadcast %slice3A_148 : vector<1x128xf32> to vector<1024x128xf32>
    %add3A_151 = arith.addf %add3A_149, %add3A_150 : vector<1024x128xf32>
    %slice3A_152 = vector.extract_strided_slice %dot_general3A_17 {offsets = [0, 2816], sizes = [1024, 128], strides = [1, 1]} : vector<1024x4096xf32> to vector<1024x128xf32>
    %add3A_153 = arith.addf %add3A_151, %slice3A_152 : vector<1024x128xf32>
    %slice3A_154 = vector.extract_strided_slice %broadcast_in_dim3A_16 {offsets = [0, 2944], sizes = [1, 128], strides = [1, 1]} : vector<1x4096xf32> to vector<1x128xf32>
    %add3A_155 = vector.broadcast %broadcast_in_dim3A : vector<1024x1xf32> to vector<1024x128xf32>
    %add3A_156 = vector.broadcast %slice3A_154 : vector<1x128xf32> to vector<1024x128xf32>
    %add3A_157 = arith.addf %add3A_155, %add3A_156 : vector<1024x128xf32>
    %slice3A_158 = vector.extract_strided_slice %dot_general3A_17 {offsets = [0, 2944], sizes = [1024, 128], strides = [1, 1]} : vector<1024x4096xf32> to vector<1024x128xf32>
    %add3A_159 = arith.addf %add3A_157, %slice3A_158 : vector<1024x128xf32>
    %slice3A_160 = vector.extract_strided_slice %broadcast_in_dim3A_16 {offsets = [0, 3072], sizes = [1, 128], strides = [1, 1]} : vector<1x4096xf32> to vector<1x128xf32>
    %add3A_161 = vector.broadcast %broadcast_in_dim3A : vector<1024x1xf32> to vector<1024x128xf32>
    %add3A_162 = vector.broadcast %slice3A_160 : vector<1x128xf32> to vector<1024x128xf32>
    %add3A_163 = arith.addf %add3A_161, %add3A_162 : vector<1024x128xf32>
    %slice3A_164 = vector.extract_strided_slice %dot_general3A_17 {offsets = [0, 3072], sizes = [1024, 128], strides = [1, 1]} : vector<1024x4096xf32> to vector<1024x128xf32>
    %add3A_165 = arith.addf %add3A_163, %slice3A_164 : vector<1024x128xf32>
    %slice3A_166 = vector.extract_strided_slice %broadcast_in_dim3A_16 {offsets = [0, 3200], sizes = [1, 128], strides = [1, 1]} : vector<1x4096xf32> to vector<1x128xf32>
    %add3A_167 = vector.broadcast %broadcast_in_dim3A : vector<1024x1xf32> to vector<1024x128xf32>
    %add3A_168 = vector.broadcast %slice3A_166 : vector<1x128xf32> to vector<1024x128xf32>
    %add3A_169 = arith.addf %add3A_167, %add3A_168 : vector<1024x128xf32>
    %slice3A_170 = vector.extract_strided_slice %dot_general3A_17 {offsets = [0, 3200], sizes = [1024, 128], strides = [1, 1]} : vector<1024x4096xf32> to vector<1024x128xf32>
    %add3A_171 = arith.addf %add3A_169, %slice3A_170 : vector<1024x128xf32>
    %slice3A_172 = vector.extract_strided_slice %broadcast_in_dim3A_16 {offsets = [0, 3328], sizes = [1, 128], strides = [1, 1]} : vector<1x4096xf32> to vector<1x128xf32>
    %add3A_173 = vector.broadcast %broadcast_in_dim3A : vector<1024x1xf32> to vector<1024x128xf32>
    %add3A_174 = vector.broadcast %slice3A_172 : vector<1x128xf32> to vector<1024x128xf32>
    %add3A_175 = arith.addf %add3A_173, %add3A_174 : vector<1024x128xf32>
    %slice3A_176 = vector.extract_strided_slice %dot_general3A_17 {offsets = [0, 3328], sizes = [1024, 128], strides = [1, 1]} : vector<1024x4096xf32> to vector<1024x128xf32>
    %add3A_177 = arith.addf %add3A_175, %slice3A_176 : vector<1024x128xf32>
    %slice3A_178 = vector.extract_strided_slice %broadcast_in_dim3A_16 {offsets = [0, 3456], sizes = [1, 128], strides = [1, 1]} : vector<1x4096xf32> to vector<1x128xf32>
    %add3A_179 = vector.broadcast %broadcast_in_dim3A : vector<1024x1xf32> to vector<1024x128xf32>
    %add3A_180 = vector.broadcast %slice3A_178 : vector<1x128xf32> to vector<1024x128xf32>
    %add3A_181 = arith.addf %add3A_179, %add3A_180 : vector<1024x128xf32>
    %slice3A_182 = vector.extract_strided_slice %dot_general3A_17 {offsets = [0, 3456], sizes = [1024, 128], strides = [1, 1]} : vector<1024x4096xf32> to vector<1024x128xf32>
    %add3A_183 = arith.addf %add3A_181, %slice3A_182 : vector<1024x128xf32>
    %slice3A_184 = vector.extract_strided_slice %broadcast_in_dim3A_16 {offsets = [0, 3584], sizes = [1, 128], strides = [1, 1]} : vector<1x4096xf32> to vector<1x128xf32>
    %add3A_185 = vector.broadcast %broadcast_in_dim3A : vector<1024x1xf32> to vector<1024x128xf32>
    %add3A_186 = vector.broadcast %slice3A_184 : vector<1x128xf32> to vector<1024x128xf32>
    %add3A_187 = arith.addf %add3A_185, %add3A_186 : vector<1024x128xf32>
    %slice3A_188 = vector.extract_strided_slice %dot_general3A_17 {offsets = [0, 3584], sizes = [1024, 128], strides = [1, 1]} : vector<1024x4096xf32> to vector<1024x128xf32>
    %add3A_189 = arith.addf %add3A_187, %slice3A_188 : vector<1024x128xf32>
    %slice3A_190 = vector.extract_strided_slice %broadcast_in_dim3A_16 {offsets = [0, 3712], sizes = [1, 128], strides = [1, 1]} : vector<1x4096xf32> to vector<1x128xf32>
    %add3A_191 = vector.broadcast %broadcast_in_dim3A : vector<1024x1xf32> to vector<1024x128xf32>
    %add3A_192 = vector.broadcast %slice3A_190 : vector<1x128xf32> to vector<1024x128xf32>
    %add3A_193 = arith.addf %add3A_191, %add3A_192 : vector<1024x128xf32>
    %slice3A_194 = vector.extract_strided_slice %dot_general3A_17 {offsets = [0, 3712], sizes = [1024, 128], strides = [1, 1]} : vector<1024x4096xf32> to vector<1024x128xf32>
    %add3A_195 = arith.addf %add3A_193, %slice3A_194 : vector<1024x128xf32>
    %slice3A_196 = vector.extract_strided_slice %broadcast_in_dim3A_16 {offsets = [0, 3840], sizes = [1, 128], strides = [1, 1]} : vector<1x4096xf32> to vector<1x128xf32>
    %add3A_197 = vector.broadcast %broadcast_in_dim3A : vector<1024x1xf32> to vector<1024x128xf32>
    %add3A_198 = vector.broadcast %slice3A_196 : vector<1x128xf32> to vector<1024x128xf32>
    %add3A_199 = arith.addf %add3A_197, %add3A_198 : vector<1024x128xf32>
    %slice3A_200 = vector.extract_strided_slice %dot_general3A_17 {offsets = [0, 3840], sizes = [1024, 128], strides = [1, 1]} : vector<1024x4096xf32> to vector<1024x128xf32>
    %add3A_201 = arith.addf %add3A_199, %slice3A_200 : vector<1024x128xf32>
    %slice3A_202 = vector.extract_strided_slice %broadcast_in_dim3A_16 {offsets = [0, 3968], sizes = [1, 128], strides = [1, 1]} : vector<1x4096xf32> to vector<1x128xf32>
    %add3A_203 = vector.broadcast %broadcast_in_dim3A : vector<1024x1xf32> to vector<1024x128xf32>
    %add3A_204 = vector.broadcast %slice3A_202 : vector<1x128xf32> to vector<1024x128xf32>
    %add3A_205 = arith.addf %add3A_203, %add3A_204 : vector<1024x128xf32>
    %slice3A_206 = vector.extract_strided_slice %dot_general3A_17 {offsets = [0, 3968], sizes = [1024, 128], strides = [1, 1]} : vector<1024x4096xf32> to vector<1024x128xf32>
    %add3A_207 = arith.addf %add3A_205, %slice3A_206 : vector<1024x128xf32>
    %lt3A = arith.cmpf olt, %add3A_27, %add3A_21 : vector<1024x128xf32>
    %min3A = arith.minimumf %add3A_21, %add3A_27 : vector<1024x128xf32>
    %jit3A = arith.constant 1.000000e+00 : f32
    %jit3A_208 = arith.constant 0.000000e+00 : f32
    %broadcast_in_dim3A_209 = vector.broadcast %jit3A : f32 to vector<1024x128xf32>
    %broadcast_in_dim3A_210 = vector.broadcast %jit3A_208 : f32 to vector<1024x128xf32>
    %select_n3A = arith.select %lt3A, %broadcast_in_dim3A_209, %broadcast_in_dim3A_210 : vector<1024x128xi1>, vector<1024x128xf32>
    %lt3A_211 = arith.cmpf olt, %add3A_39, %add3A_33 : vector<1024x128xf32>
    %min3A_212 = arith.minimumf %add3A_33, %add3A_39 : vector<1024x128xf32>
    %jit3A_213 = arith.constant 3.000000e+00 : f32
    %jit3A_214 = arith.constant 2.000000e+00 : f32
    %broadcast_in_dim3A_215 = vector.broadcast %jit3A_213 : f32 to vector<1024x128xf32>
    %broadcast_in_dim3A_216 = vector.broadcast %jit3A_214 : f32 to vector<1024x128xf32>
    %select_n3A_217 = arith.select %lt3A_211, %broadcast_in_dim3A_215, %broadcast_in_dim3A_216 : vector<1024x128xi1>, vector<1024x128xf32>
    %lt3A_218 = arith.cmpf olt, %add3A_51, %add3A_45 : vector<1024x128xf32>
    %min3A_219 = arith.minimumf %add3A_45, %add3A_51 : vector<1024x128xf32>
    %jit3A_220 = arith.constant 5.000000e+00 : f32
    %jit3A_221 = arith.constant 4.000000e+00 : f32
    %broadcast_in_dim3A_222 = vector.broadcast %jit3A_220 : f32 to vector<1024x128xf32>
    %broadcast_in_dim3A_223 = vector.broadcast %jit3A_221 : f32 to vector<1024x128xf32>
    %select_n3A_224 = arith.select %lt3A_218, %broadcast_in_dim3A_222, %broadcast_in_dim3A_223 : vector<1024x128xi1>, vector<1024x128xf32>
    %lt3A_225 = arith.cmpf olt, %add3A_63, %add3A_57 : vector<1024x128xf32>
    %min3A_226 = arith.minimumf %add3A_57, %add3A_63 : vector<1024x128xf32>
    %jit3A_227 = arith.constant 7.000000e+00 : f32
    %jit3A_228 = arith.constant 6.000000e+00 : f32
    %broadcast_in_dim3A_229 = vector.broadcast %jit3A_227 : f32 to vector<1024x128xf32>
    %broadcast_in_dim3A_230 = vector.broadcast %jit3A_228 : f32 to vector<1024x128xf32>
    %select_n3A_231 = arith.select %lt3A_225, %broadcast_in_dim3A_229, %broadcast_in_dim3A_230 : vector<1024x128xi1>, vector<1024x128xf32>
    %lt3A_232 = arith.cmpf olt, %add3A_75, %add3A_69 : vector<1024x128xf32>
    %min3A_233 = arith.minimumf %add3A_69, %add3A_75 : vector<1024x128xf32>
    %jit3A_234 = arith.constant 9.000000e+00 : f32
    %jit3A_235 = arith.constant 8.000000e+00 : f32
    %broadcast_in_dim3A_236 = vector.broadcast %jit3A_234 : f32 to vector<1024x128xf32>
    %broadcast_in_dim3A_237 = vector.broadcast %jit3A_235 : f32 to vector<1024x128xf32>
    %select_n3A_238 = arith.select %lt3A_232, %broadcast_in_dim3A_236, %broadcast_in_dim3A_237 : vector<1024x128xi1>, vector<1024x128xf32>
    %lt3A_239 = arith.cmpf olt, %add3A_87, %add3A_81 : vector<1024x128xf32>
    %min3A_240 = arith.minimumf %add3A_81, %add3A_87 : vector<1024x128xf32>
    %jit3A_241 = arith.constant 1.100000e+01 : f32
    %jit3A_242 = arith.constant 1.000000e+01 : f32
    %broadcast_in_dim3A_243 = vector.broadcast %jit3A_241 : f32 to vector<1024x128xf32>
    %broadcast_in_dim3A_244 = vector.broadcast %jit3A_242 : f32 to vector<1024x128xf32>
    %select_n3A_245 = arith.select %lt3A_239, %broadcast_in_dim3A_243, %broadcast_in_dim3A_244 : vector<1024x128xi1>, vector<1024x128xf32>
    %lt3A_246 = arith.cmpf olt, %add3A_99, %add3A_93 : vector<1024x128xf32>
    %min3A_247 = arith.minimumf %add3A_93, %add3A_99 : vector<1024x128xf32>
    %jit3A_248 = arith.constant 1.300000e+01 : f32
    %jit3A_249 = arith.constant 1.200000e+01 : f32
    %broadcast_in_dim3A_250 = vector.broadcast %jit3A_248 : f32 to vector<1024x128xf32>
    %broadcast_in_dim3A_251 = vector.broadcast %jit3A_249 : f32 to vector<1024x128xf32>
    %select_n3A_252 = arith.select %lt3A_246, %broadcast_in_dim3A_250, %broadcast_in_dim3A_251 : vector<1024x128xi1>, vector<1024x128xf32>
    %lt3A_253 = arith.cmpf olt, %add3A_111, %add3A_105 : vector<1024x128xf32>
    %min3A_254 = arith.minimumf %add3A_105, %add3A_111 : vector<1024x128xf32>
    %jit3A_255 = arith.constant 1.500000e+01 : f32
    %jit3A_256 = arith.constant 1.400000e+01 : f32
    %broadcast_in_dim3A_257 = vector.broadcast %jit3A_255 : f32 to vector<1024x128xf32>
    %broadcast_in_dim3A_258 = vector.broadcast %jit3A_256 : f32 to vector<1024x128xf32>
    %select_n3A_259 = arith.select %lt3A_253, %broadcast_in_dim3A_257, %broadcast_in_dim3A_258 : vector<1024x128xi1>, vector<1024x128xf32>
    %lt3A_260 = arith.cmpf olt, %add3A_123, %add3A_117 : vector<1024x128xf32>
    %min3A_261 = arith.minimumf %add3A_117, %add3A_123 : vector<1024x128xf32>
    %jit3A_262 = arith.constant 1.700000e+01 : f32
    %jit3A_263 = arith.constant 1.600000e+01 : f32
    %broadcast_in_dim3A_264 = vector.broadcast %jit3A_262 : f32 to vector<1024x128xf32>
    %broadcast_in_dim3A_265 = vector.broadcast %jit3A_263 : f32 to vector<1024x128xf32>
    %select_n3A_266 = arith.select %lt3A_260, %broadcast_in_dim3A_264, %broadcast_in_dim3A_265 : vector<1024x128xi1>, vector<1024x128xf32>
    %lt3A_267 = arith.cmpf olt, %add3A_135, %add3A_129 : vector<1024x128xf32>
    %min3A_268 = arith.minimumf %add3A_129, %add3A_135 : vector<1024x128xf32>
    %jit3A_269 = arith.constant 1.900000e+01 : f32
    %jit3A_270 = arith.constant 1.800000e+01 : f32
    %broadcast_in_dim3A_271 = vector.broadcast %jit3A_269 : f32 to vector<1024x128xf32>
    %broadcast_in_dim3A_272 = vector.broadcast %jit3A_270 : f32 to vector<1024x128xf32>
    %select_n3A_273 = arith.select %lt3A_267, %broadcast_in_dim3A_271, %broadcast_in_dim3A_272 : vector<1024x128xi1>, vector<1024x128xf32>
    %lt3A_274 = arith.cmpf olt, %add3A_147, %add3A_141 : vector<1024x128xf32>
    %min3A_275 = arith.minimumf %add3A_141, %add3A_147 : vector<1024x128xf32>
    %jit3A_276 = arith.constant 2.100000e+01 : f32
    %jit3A_277 = arith.constant 2.000000e+01 : f32
    %broadcast_in_dim3A_278 = vector.broadcast %jit3A_276 : f32 to vector<1024x128xf32>
    %broadcast_in_dim3A_279 = vector.broadcast %jit3A_277 : f32 to vector<1024x128xf32>
    %select_n3A_280 = arith.select %lt3A_274, %broadcast_in_dim3A_278, %broadcast_in_dim3A_279 : vector<1024x128xi1>, vector<1024x128xf32>
    %lt3A_281 = arith.cmpf olt, %add3A_159, %add3A_153 : vector<1024x128xf32>
    %min3A_282 = arith.minimumf %add3A_153, %add3A_159 : vector<1024x128xf32>
    %jit3A_283 = arith.constant 2.300000e+01 : f32
    %jit3A_284 = arith.constant 2.200000e+01 : f32
    %broadcast_in_dim3A_285 = vector.broadcast %jit3A_283 : f32 to vector<1024x128xf32>
    %broadcast_in_dim3A_286 = vector.broadcast %jit3A_284 : f32 to vector<1024x128xf32>
    %select_n3A_287 = arith.select %lt3A_281, %broadcast_in_dim3A_285, %broadcast_in_dim3A_286 : vector<1024x128xi1>, vector<1024x128xf32>
    %lt3A_288 = arith.cmpf olt, %add3A_171, %add3A_165 : vector<1024x128xf32>
    %min3A_289 = arith.minimumf %add3A_165, %add3A_171 : vector<1024x128xf32>
    %jit3A_290 = arith.constant 2.500000e+01 : f32
    %jit3A_291 = arith.constant 2.400000e+01 : f32
    %broadcast_in_dim3A_292 = vector.broadcast %jit3A_290 : f32 to vector<1024x128xf32>
    %broadcast_in_dim3A_293 = vector.broadcast %jit3A_291 : f32 to vector<1024x128xf32>
    %select_n3A_294 = arith.select %lt3A_288, %broadcast_in_dim3A_292, %broadcast_in_dim3A_293 : vector<1024x128xi1>, vector<1024x128xf32>
    %lt3A_295 = arith.cmpf olt, %add3A_183, %add3A_177 : vector<1024x128xf32>
    %min3A_296 = arith.minimumf %add3A_177, %add3A_183 : vector<1024x128xf32>
    %jit3A_297 = arith.constant 2.700000e+01 : f32
    %jit3A_298 = arith.constant 2.600000e+01 : f32
    %broadcast_in_dim3A_299 = vector.broadcast %jit3A_297 : f32 to vector<1024x128xf32>
    %broadcast_in_dim3A_300 = vector.broadcast %jit3A_298 : f32 to vector<1024x128xf32>
    %select_n3A_301 = arith.select %lt3A_295, %broadcast_in_dim3A_299, %broadcast_in_dim3A_300 : vector<1024x128xi1>, vector<1024x128xf32>
    %lt3A_302 = arith.cmpf olt, %add3A_195, %add3A_189 : vector<1024x128xf32>
    %min3A_303 = arith.minimumf %add3A_189, %add3A_195 : vector<1024x128xf32>
    %jit3A_304 = arith.constant 2.900000e+01 : f32
    %jit3A_305 = arith.constant 2.800000e+01 : f32
    %broadcast_in_dim3A_306 = vector.broadcast %jit3A_304 : f32 to vector<1024x128xf32>
    %broadcast_in_dim3A_307 = vector.broadcast %jit3A_305 : f32 to vector<1024x128xf32>
    %select_n3A_308 = arith.select %lt3A_302, %broadcast_in_dim3A_306, %broadcast_in_dim3A_307 : vector<1024x128xi1>, vector<1024x128xf32>
    %lt3A_309 = arith.cmpf olt, %add3A_207, %add3A_201 : vector<1024x128xf32>
    %min3A_310 = arith.minimumf %add3A_201, %add3A_207 : vector<1024x128xf32>
    %jit3A_311 = arith.constant 3.100000e+01 : f32
    %jit3A_312 = arith.constant 3.000000e+01 : f32
    %broadcast_in_dim3A_313 = vector.broadcast %jit3A_311 : f32 to vector<1024x128xf32>
    %broadcast_in_dim3A_314 = vector.broadcast %jit3A_312 : f32 to vector<1024x128xf32>
    %select_n3A_315 = arith.select %lt3A_309, %broadcast_in_dim3A_313, %broadcast_in_dim3A_314 : vector<1024x128xi1>, vector<1024x128xf32>
    %lt3A_316 = arith.cmpf olt, %min3A_212, %min3A : vector<1024x128xf32>
    %min3A_317 = arith.minimumf %min3A, %min3A_212 : vector<1024x128xf32>
    %select_n3A_318 = arith.select %lt3A_316, %select_n3A_217, %select_n3A : vector<1024x128xi1>, vector<1024x128xf32>
    %lt3A_319 = arith.cmpf olt, %min3A_226, %min3A_219 : vector<1024x128xf32>
    %min3A_320 = arith.minimumf %min3A_219, %min3A_226 : vector<1024x128xf32>
    %select_n3A_321 = arith.select %lt3A_319, %select_n3A_231, %select_n3A_224 : vector<1024x128xi1>, vector<1024x128xf32>
    %lt3A_322 = arith.cmpf olt, %min3A_240, %min3A_233 : vector<1024x128xf32>
    %min3A_323 = arith.minimumf %min3A_233, %min3A_240 : vector<1024x128xf32>
    %select_n3A_324 = arith.select %lt3A_322, %select_n3A_245, %select_n3A_238 : vector<1024x128xi1>, vector<1024x128xf32>
    %lt3A_325 = arith.cmpf olt, %min3A_254, %min3A_247 : vector<1024x128xf32>
    %min3A_326 = arith.minimumf %min3A_247, %min3A_254 : vector<1024x128xf32>
    %select_n3A_327 = arith.select %lt3A_325, %select_n3A_259, %select_n3A_252 : vector<1024x128xi1>, vector<1024x128xf32>
    %lt3A_328 = arith.cmpf olt, %min3A_268, %min3A_261 : vector<1024x128xf32>
    %min3A_329 = arith.minimumf %min3A_261, %min3A_268 : vector<1024x128xf32>
    %select_n3A_330 = arith.select %lt3A_328, %select_n3A_273, %select_n3A_266 : vector<1024x128xi1>, vector<1024x128xf32>
    %lt3A_331 = arith.cmpf olt, %min3A_282, %min3A_275 : vector<1024x128xf32>
    %min3A_332 = arith.minimumf %min3A_275, %min3A_282 : vector<1024x128xf32>
    %select_n3A_333 = arith.select %lt3A_331, %select_n3A_287, %select_n3A_280 : vector<1024x128xi1>, vector<1024x128xf32>
    %lt3A_334 = arith.cmpf olt, %min3A_296, %min3A_289 : vector<1024x128xf32>
    %min3A_335 = arith.minimumf %min3A_289, %min3A_296 : vector<1024x128xf32>
    %select_n3A_336 = arith.select %lt3A_334, %select_n3A_301, %select_n3A_294 : vector<1024x128xi1>, vector<1024x128xf32>
    %lt3A_337 = arith.cmpf olt, %min3A_310, %min3A_303 : vector<1024x128xf32>
    %min3A_338 = arith.minimumf %min3A_303, %min3A_310 : vector<1024x128xf32>
    %select_n3A_339 = arith.select %lt3A_337, %select_n3A_315, %select_n3A_308 : vector<1024x128xi1>, vector<1024x128xf32>
    %lt3A_340 = arith.cmpf olt, %min3A_320, %min3A_317 : vector<1024x128xf32>
    %min3A_341 = arith.minimumf %min3A_317, %min3A_320 : vector<1024x128xf32>
    %select_n3A_342 = arith.select %lt3A_340, %select_n3A_321, %select_n3A_318 : vector<1024x128xi1>, vector<1024x128xf32>
    %lt3A_343 = arith.cmpf olt, %min3A_326, %min3A_323 : vector<1024x128xf32>
    %min3A_344 = arith.minimumf %min3A_323, %min3A_326 : vector<1024x128xf32>
    %select_n3A_345 = arith.select %lt3A_343, %select_n3A_327, %select_n3A_324 : vector<1024x128xi1>, vector<1024x128xf32>
    %lt3A_346 = arith.cmpf olt, %min3A_332, %min3A_329 : vector<1024x128xf32>
    %min3A_347 = arith.minimumf %min3A_329, %min3A_332 : vector<1024x128xf32>
    %select_n3A_348 = arith.select %lt3A_346, %select_n3A_333, %select_n3A_330 : vector<1024x128xi1>, vector<1024x128xf32>
    %lt3A_349 = arith.cmpf olt, %min3A_338, %min3A_335 : vector<1024x128xf32>
    %min3A_350 = arith.minimumf %min3A_335, %min3A_338 : vector<1024x128xf32>
    %select_n3A_351 = arith.select %lt3A_349, %select_n3A_339, %select_n3A_336 : vector<1024x128xi1>, vector<1024x128xf32>
    %lt3A_352 = arith.cmpf olt, %min3A_344, %min3A_341 : vector<1024x128xf32>
    %min3A_353 = arith.minimumf %min3A_341, %min3A_344 : vector<1024x128xf32>
    %select_n3A_354 = arith.select %lt3A_352, %select_n3A_345, %select_n3A_342 : vector<1024x128xi1>, vector<1024x128xf32>
    %lt3A_355 = arith.cmpf olt, %min3A_350, %min3A_347 : vector<1024x128xf32>
    %min3A_356 = arith.minimumf %min3A_347, %min3A_350 : vector<1024x128xf32>
    %select_n3A_357 = arith.select %lt3A_355, %select_n3A_351, %select_n3A_348 : vector<1024x128xi1>, vector<1024x128xf32>
    %lt3A_358 = arith.cmpf olt, %min3A_356, %min3A_353 : vector<1024x128xf32>
    %min3A_359 = arith.minimumf %min3A_353, %min3A_356 : vector<1024x128xf32>
    %select_n3A_360 = arith.select %lt3A_358, %select_n3A_357, %select_n3A_354 : vector<1024x128xi1>, vector<1024x128xf32>
    %iota3A = tpu.iota {dimensions = array<i32: 1>} : vector<1024x128xi32>
    %convert_element_type3A = arith.sitofp %iota3A : vector<1024x128xi32> to vector<1024x128xf32>
    %reduce_min3A = arith.constant dense<0x7F800000> : vector<1024xf32>
    %reduce_min3A_361 = vector.multi_reduction <minimumf>, %min3A_359, %reduce_min3A [1] : vector<1024x128xf32> to vector<1024xf32>
    %broadcast_in_dim3A_362 = vector.shape_cast %reduce_min3A_361 : vector<1024xf32> to vector<1024x1xf32>
    %eq3A = vector.broadcast %broadcast_in_dim3A_362 : vector<1024x1xf32> to vector<1024x128xf32>
    %eq3A_363 = arith.cmpf oeq, %min3A_359, %eq3A : vector<1024x128xf32>
    %mul3A_364 = arith.constant 1.280000e+02 : f32
    %mul3A_365 = vector.broadcast %mul3A_364 : f32 to vector<1024x128xf32>
    %mul3A_366 = arith.mulf %select_n3A_360, %mul3A_365 : vector<1024x128xf32>
    %add3A_367 = arith.addf %mul3A_366, %convert_element_type3A : vector<1024x128xf32>
    %jit3A_368 = arith.constant 1.07374182E+9 : f32
    %broadcast_in_dim3A_369 = vector.broadcast %jit3A_368 : f32 to vector<1024x128xf32>
    %select_n3A_370 = arith.select %eq3A_363, %add3A_367, %broadcast_in_dim3A_369 : vector<1024x128xi1>, vector<1024x128xf32>
    %reduce_min3A_371 = arith.constant dense<0x7F800000> : vector<1024xf32>
    %reduce_min3A_372 = vector.multi_reduction <minimumf>, %select_n3A_370, %reduce_min3A_371 [1] : vector<1024x128xf32> to vector<1024xf32>
    %broadcast_in_dim3A_373 = vector.shape_cast %reduce_min3A_372 : vector<1024xf32> to vector<1024x1xf32>
    %convert_element_type3A_374 = arith.fptosi %broadcast_in_dim3A_373 : vector<1024x1xf32> to vector<1024x1xi32>
    %squeeze3A = vector.shape_cast %convert_element_type3A_374 : vector<1024x1xi32> to vector<1024xi32>
    %mul3A_375 = arith.constant 4096 : i32
    %mul3A_376 = arith.muli %arg0, %mul3A_375 : i32
    %add3A_377 = vector.broadcast %mul3A_376 : i32 to vector<1024xi32>
    %add3A_378 = arith.addi %squeeze3A, %add3A_377 : vector<1024xi32>
    %swap3A = arith.constant 0 : index
    %swap3A_379 = vector.load %arg3[%swap3A] : memref<1024xi32, #tpu.memory_space<vmem>>, vector<1024xi32>
    tpu.vector_store %arg3[%swap3A], %add3A_378 {strides = array<i32>} : memref<1024xi32, #tpu.memory_space<vmem>>, vector<1024xi32>,
    return
  }
  func.func @transform_0(%arg0: i32) -> (i32, i32, i32) {
    %c0_i32 = arith.constant 0 : i32
    %c0_i32_0 = arith.constant 0 : i32
    %c0_i32_1 = arith.constant 0 : i32
    return %arg0, %c0_i32, %c0_i32_0 : i32, i32, i32
  }
  func.func @transform_1(%arg0: i32) -> (i32, i32, i32) {
    %c0_i32 = arith.constant 0 : i32
    %c0_i32_0 = arith.constant 0 : i32
    %c0_i32_1 = arith.constant 0 : i32
    return %arg0, %c0_i32, %c0_i32_0 : i32, i32, i32
  }
  func.func @transform_2(%arg0: i32) -> i32 {
    %c0_i32 = arith.constant 0 : i32
    return %arg0 : i32
  }
}

</mosaic_0001>

<sc_bundles>
// kernel: kernel.4.cloned.1.call-start
scs
__scs_entry_jumppad:
0x0: {  	(pc) =	sbr.rel $0x88, $3  }
0x1: {  	(tag) =	ssettag $0x0;
	lr =	simm.s32 $0x1  }
0x2: {  	[smem:$0x3F9F] =	sst lr;
	_ =	strace $0xD0000000  }
0x3: {  	_ = 	snop  }
0x4: {  	_ = 	snop  }
0x5: {  	_ = 	snop  }
0x6: {  	_ = 	snop  }
0x7: {  	_ = 	snop  }
__scs_overlays_trampoline_lowered:
0x8: {  	[smem:$0x3FAE] =	sst s0  }
0x9: {  	[smem:$0x3FAF] =	sst s1  }
0xa: {  	[smem:$0x3FB0] =	sst s2  }
0xb: {  	[smem:$0x3FB1] =	sst s3  }
0xc: {  	[smem:$0x3FB2] =	sst s4  }
0xd: {  	[smem:$0x3FB3] =	sst s5  }
0xe: {  	[smem:$0x3FB4] =	sst s6  }
0xf: {  	[smem:$0x3FB5] =	sst s7  }
0x10: {  	[smem:$0x3FB6] =	sst s8  }
0x11: {  	[smem:$0x3FB7] =	sst s9;
	s0 =	simm.s32 @!p0 $0x0  }
0x12: {  	s1 =	sld [smem:$0x3F9D];
	s0 =	simm.s32 @p0 $0x1  }
0x13: {  	[smem:$0x3FB8] =	sst s0;
	s0 =	simm.s32 @!p1 $0x0  }
0x14: {  	s2 =	sld [smem:$0x3F9C];
	s0 =	simm.s32 @p1 $0x1  }
0x15: {  	[smem:$0x3FB9] =	sst s0;
	s0 =	simm.s32 @!p2 $0x0  }
0x16: {  	s3 =	sld [smem:$0x3FDB];
	s0 =	simm.s32 @p2 $0x1  }
0x17: {  	s4 =	simm.s32 $0x1BF5;
	[smem:$0x3FBB] =	sst s0  }
0x18: {  	s0 =	sld [smem:$0x3F9E];
	_ =	swait.ge [sflag:s4], $0x0  }
0x19: {  	s7 =	sld [smem:$0x3F9F]  }
0x1a: {  	s8 =	sadd.s32 $0xFFFFE003, lr  }
0x1b: {  	s9 =	sadd.s32 $0xFFFFFEF7, lr;
	s5 =	simm.s32 $0xFFFFFFFF;
	p2 =	slt.u32 s8, $0xFFFFF086  }
0x1c: {  	p1 =	slt.u32 s9, $0xF7A;
	s5 =	simm.s32 @!p2 $0x0  }
0x1d: {  	s5 =	simm.s32 @p1 $0x1;
	p0 =	seq.s32 s7, s2  }
0x1e: {  	s7 =	smul.u32 @!p0 $0xF7A, s2;
	p2 =	seq.s32 @!p0 s5, $0x0  }
0x1f: {  	s9 =	smul.u32 $0xF7A, s1;
	s8 =	simm.s32 @!p0 $0x1BF5;
	p2 =	por !p2, p0  }
0x20: {  	[sflag:s8] =	ssyncset.s32 @!p0 $0xFFFFF086;
	s6 =	sadd.s32 @!p0 s3, s7;
	s7 =	simm.s32 @!p0 $0x108  }
0x21: {  	s3 =	sadd.s32 s3, s9;
	s6 =	sadd.s32 @!p0 $0x88, s6;
	s7 =	simm.s32 @p2 $0x1082  }
0x22: {  	[simem:s7], [sflag:s8] =	dma.local @!p0 [hbm:s6], $0xF7A  }
0x23: {  	s9 =	sor.u32 $0xD0000000, s2;
	s6 =	simm.s32 $0x108;
	_ =	swait.ge @!p0 [sflag:s8], $0x0  }
0x24: {  	s3 =	sadd.s32 $0x88, s3;
	s6 =	simm.s32 @!p1 $0x1082;
	[sflag:s4] =	ssyncset.s32 $0xFFFFF086  }
0x25: {  	[simem:s6], [sflag:s4] =	dma.local [hbm:s3], $0xF7A  }
0x26: {  	[smem:$0x3F9F] =	sst s1;
	(tag) =	ssettag s2;
	_ =	strace s9  }
0x27: {  	s1 =	sld [smem:$0x3FAF]  }
0x28: {  	s2 =	sld [smem:$0x3FB0]  }
0x29: {  	s4 =	sld [smem:$0x3FB2]  }
0x2a: {  	p0 =	seq.s32 s5, $0x0;
	s5 =	sld [smem:$0x3FB3]  }
0x2b: {  	s6 =	sld [smem:$0x3FB4]  }
0x2c: {  	s7 =	sld [smem:$0x3FB5]  }
0x2d: {  	s3 =	simm.s32 $0x108;
	s8 =	sld [smem:$0x3FB6]  }
0x2e: {  	s3 =	simm.s32 @!p0 $0x1082;
	s9 =	sld [smem:$0x3FB7]  }
0x2f: {  	lr =	sadd.s32 s0, s3;
	s0 =	sld [smem:$0x3FAE]  }
0x30: {  	s3 =	sld [smem:$0x3FB1]  }
0x31: {  	[smem:$0x3FBA] =	sst s10  }
0x32: {  	s10 =	sld [smem:$0x3FB8];
	_ =	sdelay $0x3  }
0x33: {  	p0 =	seq.s32 s10, $0x1;
	s10 =	sld [smem:$0x3FBA];
	_ =	sdelay $0x3  }
0x34: {  	[smem:$0x3FBA] =	sst s10  }
0x35: {  	s10 =	sld [smem:$0x3FB9];
	_ =	sdelay $0x3  }
0x36: {  	p1 =	seq.s32 s10, $0x1;
	s10 =	sld [smem:$0x3FBA];
	_ =	sdelay $0x3  }
0x37: {  	[smem:$0x3FBA] =	sst s10  }
0x38: {  	s10 =	sld [smem:$0x3FBB]  }
0x39: {  	_ = 	snop;
	(pc) =	sbr.ind lr, $3  }
0x3a: {  	_ = 	snop  }
0x3b: {  	_ = 	snop  }
0x3c: {  	p2 =	seq.s32 s10, $0x1;
	s10 =	sld [smem:$0x3FBA]  }
0x3d: {  	_ =	shalt  }
0x3e: {  	_ =	shalt  }
0x3f: {  	_ =	shalt  }
0x40: {  	_ =	shalt  }
0x41: {  	_ =	shalt  }
0x42: {  	_ =	shalt  }
0x43: {  	_ =	shalt  }
0x44: {  	_ =	shalt  }
0x45: {  	_ =	shalt  }
0x46: {  	_ =	shalt  }
0x47: {  	_ =	shalt  }
0x48: {  	_ =	shalt  }
0x49: {  	_ =	shalt  }
0x4a: {  	_ =	shalt  }
0x4b: {  	_ =	shalt  }
0x4c: {  	_ =	shalt  }
0x4d: {  	_ =	shalt  }
0x4e: {  	_ =	shalt  }
0x4f: {  	_ =	shalt  }
0x50: {  	_ =	shalt  }
0x51: {  	_ =	shalt  }
0x52: {  	_ =	shalt  }
0x53: {  	_ =	shalt  }
0x54: {  	_ =	shalt  }
0x55: {  	_ =	shalt  }
0x56: {  	_ =	shalt  }
0x57: {  	_ =	shalt  }
0x58: {  	_ =	shalt  }
0x59: {  	_ =	shalt  }
0x5a: {  	_ =	shalt  }
0x5b: {  	_ =	shalt  }
0x5c: {  	_ =	shalt  }
0x5d: {  	_ =	shalt  }
0x5e: {  	_ =	shalt  }
0x5f: {  	_ =	shalt  }
0x60: {  	_ =	shalt  }
0x61: {  	_ =	shalt  }
0x62: {  	_ =	shalt  }
0x63: {  	_ =	shalt  }
0x64: {  	_ =	shalt  }
0x65: {  	_ =	shalt  }
0x66: {  	_ =	shalt  }
0x67: {  	_ =	shalt  }
0x68: {  	_ =	shalt  }
0x69: {  	_ =	shalt  }
0x6a: {  	_ =	shalt  }
0x6b: {  	_ =	shalt  }
0x6c: {  	_ =	shalt  }
0x6d: {  	_ =	shalt  }
0x6e: {  	_ =	shalt  }
0x6f: {  	_ =	shalt  }
0x70: {  	_ =	shalt  }
0x71: {  	_ =	shalt  }
0x72: {  	_ =	shalt  }
0x73: {  	_ =	shalt  }
0x74: {  	_ =	shalt  }
0x75: {  	_ =	shalt  }
0x76: {  	_ =	shalt  }
0x77: {  	_ =	shalt  }
0x78: {  	_ =	shalt  }
0x79: {  	_ =	shalt  }
0x7a: {  	_ =	shalt  }
0x7b: {  	_ =	shalt  }
0x7c: {  	_ =	shalt  }
0x7d: {  	_ =	shalt  }
0x7e: {  	_ =	shalt  }
0x7f: {  	_ =	shalt  }
0x80: {  	_ =	shalt  }
0x81: {  	_ =	shalt  }
0x82: {  	_ =	shalt  }
0x83: {  	_ =	shalt  }
0x84: {  	_ =	shalt  }
0x85: {  	_ =	shalt  }
0x86: {  	_ =	shalt  }
0x87: {  	_ =	shalt  }
.Lfunc_end0:
.L_simem_size_0:
called_computation_lowered:
.L_overlay_start_0:
0x88: {  	s2 =	sld [smem:$0x3FD9]  }
0x89: {  	s3 =	sld [smem:$0x3FFE];
	_ =	sdelay $0x1  }
0x8a: {  	s1 =	srdreg.scid  }
0x8b: {  	s0 =	sand.u32 $0x1, s1  }
0x8c: {  	s17 =	sshll.u32 s0, $0xA;
	s2 =	sadd.s32 s3, s2  }
0x8d: {  	s2 =	sadd.s32 s2, s17  }
0x8e: {  	[smem:$0x3FC6] =	sst s2  }
0x8f: {  	_ = 	snop  }
0x90: {  	s2 =	sld [smem:$0x3FC9]  }
0x91: {  	s18 =	sld [smem:$0x3FD0];
	(tm) =	ssettm $0x1  }
0x92: {  	s4 =	sld [smem:$0x3FFB];
	_ =	sdelay $0x3  }
0x93: {  	_ =	strace s4  }
0x94: {  	s4 =	sld [smem:$0x3FFC];
	_ =	sdelay $0x3  }
0x95: {  	_ =	strace s4  }
0x96: {  	s4 =	sld [smem:$0x3FFD];
	_ =	sdelay $0x3  }
0x97: {  	_ =	strace s4  }
0x98: {  	_ =	strace $0x8FFFFFFF  }
0x99: {  	s19 =	sld [smem:$0x3FDB];
	_ =	sdelay $0x1  }
0x9a: {  	s5 =	simm.s32 $_scs_section_size  }
0x9b: {  	s6 =	simm.s32 $_size__tile_overlayer_lowered;
	s7 =	simm.s32 $_tile_overlayer_lowered  }
0x9c: {  	s22 =	simm.s32 $0x1BFF;
	s21 =	sshll.u32 s7, $0x1;
	s4 =	sadd.s32 s5, s19  }
0x9d: {  	s8 =	simm.s32 $0x0;
	s20 =	sshll.u32 s6, $0x1;
	s6 =	sadd.s32 s21, s4  }
0x9e: {  	[timem:s8], [sflag:s22] =	dma.local [hbm:s6], s20  }
0x9f: {  	_ =	swait.ge [sflag:s22], s20  }
0xa0: {  	s5 =	ssub.s32 $0x0, s20;
	[sflag:s22] =	ssyncset.done $0x0  }
0xa1: {  	[sflag:s22] =	ssyncadd.s32 s5;
	_ =	sdelay $0x1  }
0xa2: {  	s23 =	simm.s32 $0x1B8B  }
0xa3: {  	_ =	swait.ge [sflag:s23], $0x1  }
0xa4: {  	[sflag:s23] =	ssyncset.done $0x0  }
0xa5: {  	s25 =	simm.s32 $0x1B8E;
	s24 =	sld [smem:$0x3FFE];
	[sflag:s23] =	ssyncadd.s32 $0xFFFFFFFF  }
0xa6: {  	s26 =	simm.s32 $execute0_lowered;
	[smem:$0x3FD2] =	sst s25  }
0xa7: {  	s6 =	sshll.u32 s26, $0x1;
	_ =	strace $0x80000046;
	[dreg:$0x1] =	wrdreg $0xFFFFFFFF  }
0xa8: {  	s28 =	simm.s32 $_size_execute0_lowered;
	s4 =	sadd.s32 s4, s6;
	[dreg:$0x0] =	wrdreg $0x0  }
0xa9: {  	s6 =	sshll.u32 s28, $0x1;
	[dreg:$0x2] =	wrdreg s4  }
0xaa: {  	[dreg:$0x3] =	wrdreg s6  }
0xab: {  	[dreg:$0x4] =	wrdreg $0xC0  }
0xac: {  	_ =	task [dreg:s8], $0x5FFFF  }
0xad: {  	[dreg:$0x1] =	wrdreg $0xFFFFFFFF  }
0xae: {  	[dreg:$0x0] =	wrdreg $0x60  }
0xaf: {  	[dreg:$0x2] =	wrdreg s2  }
0xb0: {  	[dreg:$0x3] =	wrdreg s24  }
0xb1: {  	[dreg:$0x4] =	wrdreg s18  }
0xb2: {  	[dreg:$0x5] =	wrdreg $0x9  }
0xb3: {  	_ =	task.clear_ibuf [dreg:s8], $0x6FFFF;
	_ =	strace $0x90000046  }
0xb4: {  	s29 =	simm.s32 $0x9;
	_ =	strace $0x80000048  }
0xb5: {  	_ =	swait.ge [sflag:s29], $0x1  }
0xb6: {  	[sflag:s29] =	ssyncadd.s32 $0xFFFFFFFF  }
0xb7: {  	_ =	strace $0x90000048  }
0xb8: {  	_ =	sfence  }
0xb9: {  	s30 =	sld [smem:$0x0];
	_ =	sdelay $0x2  }
0xba: {  	s31 =	sshll.u32 s1, $0xD;
	s1 =	sshrl.u32 s1, $0x2  }
0xbb: {  	s3 =	sand.u32 $0x4000, s31;
	s1 =	sadd.s32 s1, s30  }
0xbc: {  	s0 =	sor.u32 s3, s0;
	s1 =	sshll.u32 s1, $0x11  }
0xbd: {  	s0 =	sor.u32 s1, s0  }
0xbe: {  	s0 =	sadd.s32 $0x8F2B, s0  }
0xbf: {  	[sflag:s0] =	ssyncadd.remote.s32 $0x1  }
0xc0: {  	_ =	sfence.sel $0xFFFF  }
0xc1: {  	[dreg:$0x0] =	wrdreg $0xFFFFFFFF;
	(pc) =	sbr.abs _section_cstart, $3  }
0xc2: {  	[dreg:$0x1] =	wrdreg $0xFFFFFFFF  }
0xc3: {  	_ =	task.clear_ibuf [dreg:s8], $0x2FFFF;
	_ =	strace $0x9FFFFFFF  }
0xc4: {  	(tm) =	ssettm $0x7FFFFFFF  }
0xc5: {  	_ =	shalt  }
tec
execute0_lowered:
.L_overlay_start_1:
0x0: {  	(tag) =	ssettag $0x1  }
0x1: {  	s2 =	srdreg.scid  }
0x2: {  	s1 =	rddreg [dreg:$0x0];
	s0 =	stileid.u32;
	s6 =	sand.u32 $0x1, s2  }
0x3: {  	s4 =	rddreg [dreg:$0x1];
	s30 =	sshll.u32 s0, $0x9;
	s3 =	sshll.u32 s6, $0x8  }
0x4: {  	s8 =	rddreg [dreg:$0x2];
	s9 =	sor.u32 s3, s30  }
0x5: {  	s2 =	rddreg [dreg:$0x3];
	s3 =	simm.s32 $0x0;
	s5 =	sshrl.u32 s9, $0x3  }
0x6: {  	s10 =	ssub.s32 $0x2, s6;
	[smem:$0x7FF] =	sst s3;
	s4 =	sadd.s32 s5, s4  }
0x7: {  	_ =	strace $0x80000047;
	s5 =	sadd.s32 $0xA00, s4;
	s4 =	simm.s32 $0x2  }
0x8: {  	[tilespmem:s3], [sflag:$0x2] =	stream.linear.gather [hbm4b:s5+s3], $0x100, $0x38;
	[tilespmem:$0x8100] =	vst v63  }
0x9: {  	s11 =	sshrl.u32 s10, $0x1;
	_ =	swait.ge [sflag:s4], $0x100  }
0xa: {  	s7 =	simm.s32 $0x1;
	s10 =	ssub.s32 s10, s11;
	[sflag:s4] =	ssyncset.done $0x0  }
0xb: {  	s6 =	simm.s32 $0x100;
	s31 =	smax.u32 s10, $0x1;
	[sflag:s4] =	ssyncadd.s32 $0xFFFFFF00  }
0xc: {  	[tilespmem:s6], [sflag:$0x1] =	stream.indirect.gather [hbm4b:s1+s6], $0x80, s3, s6, $0xb8;
	[tilespmem:$0x8100] =	vst v63  }
0xd: {  	p0 =	sne.s32 s31, $0x1;
	_ =	swait.ge [sflag:s7], $0x8000  }
.Ltmp0:
0xe: {  	s9 =	sshll.u32 s9, $0x4;
	[sflag:s7] =	ssyncset.done $0x0;
	(pc) =	sbr.rel @!p0 .LBB2_2-.Ltmp0, $4  }
0xf: {  	s8 =	sadd.s32 s8, s9;
	[sflag:s7] =	ssyncadd.s32 $0xFFFF8000  }
0x10: {  	[hbm4b:s8+s3] =	stream.linear.scatter [tilespmem:s6], [sflag:$0x2], $0x8000, $0x38;
	[tilespmem:$0x8100] =	vst v63  }
0x11: {  	_ =	swait.ge [sflag:s4], $0x8000  }
0x12: {  	s9 =	sadd.s32 $0xFFFFFFFF, s31;
	[sflag:s4] =	ssyncset.done $0x0  }
.LBB2_1:
0x13: {  	p0 =	sne.s32 s9, $0x1;
	s9 =	sadd.s32 $0xFFFFFFFF, s9;
	[sflag:s4] =	ssyncadd.s32 $0xFFFF8000  }
0x14: {  	[tilespmem:s3], [sflag:$0x2] =	stream.linear.gather [hbm4b:s5+s3], $0x100, $0x38;
	[tilespmem:$0x8100] =	vst v63  }
0x15: {  	_ =	swait.ge [sflag:s4], $0x100  }
0x16: {  	[sflag:s4] =	ssyncset.done $0x0  }
0x17: {  	[sflag:s4] =	ssyncadd.s32 $0xFFFFFF00  }
0x18: {  	[tilespmem:s6], [sflag:$0x1] =	stream.indirect.gather [hbm4b:s1+s6], $0x80, s3, s6, $0xb8;
	[tilespmem:$0x8100] =	vst v63  }
0x19: {  	_ =	swait.ge [sflag:s7], $0x8000  }
.Ltmp1:
0x1a: {  	[sflag:s7] =	ssyncset.done $0x0;
	(pc) =	sbr.rel @p0 .LBB2_1-.Ltmp1, $4  }
0x1b: {  	[sflag:s7] =	ssyncadd.s32 $0xFFFF8000  }
0x1c: {  	[hbm4b:s8+s3] =	stream.linear.scatter [tilespmem:s6], [sflag:$0x2], $0x8000, $0x38;
	[tilespmem:$0x8100] =	vst v63  }
0x1d: {  	_ =	swait.ge [sflag:s4], $0x8000  }
0x1e: {  	[sflag:s4] =	ssyncset.done $0x0  }
.LBB2_2:
0x1f: {  	[sflag:s4] =	ssyncadd.s32 $0xFFFF8000  }
0x20: {  	_ =	sfence.sel $0x180000  }
0x21: {  	[bflag:$0x0] =	sbarrier.arrive $0xFFFF  }
0x22: {  	p0 =	sne.s32 s0, $0x0;
	_ =	strace $0x90000047  }
0x23: {  	s0 =	sadd.s32 @!p0 $0x100000, s2;
	[bflag:$0x2] =	sbarrier.arrive $0xFFFF  }
0x24: {  	[sflag:s0] =	ssyncadd.tile.s32 @!p0 $0x1;
	_ =	shalt  }
.Lfunc_end2:
_tile_overlayer_lowered:
.L_overlay_start_2:
0x25: {  	(tag) =	ssettag $0x2  }
0x26: {  	s0 =	rddreg [dreg:$0x0];
	s2 =	stileid.u32  }
0x27: {  	s1 =	rddreg [dreg:$0x1];
	p0 =	sne.s32 s2, $0x0  }
0x28: {  	s3 =	rddreg [dreg:$0x2];
	[bflag:$0x3] =	sbarrier.arrive $0xFFFF;
	s2 =	simm.s32 @!p0 $0x1C02  }
0x29: {  	[timem:s3], [sflag:s2] =	dma.local @!p0 [hbm:s0], s1  }
0x2a: {  	s0 =	simm.s32 @!p0 $0x2  }
0x2b: {  	_ =	swait.ge @!p0 [sflag:s0], s1  }
0x2c: {  	s1 =	ssub.s32 @!p0 $0x0, s1;
	[sflag:s0] =	ssyncset.done @!p0 $0x0  }
0x2d: {  	[sflag:s0] =	ssyncadd.s32 @!p0 s1  }
0x2e: {  	[bflag:$0x3] =	sbarrier.arrive $0xFFFF  }
0x2f: {  	_ =	shalt  }

</sc_bundles>
